<compile_context>
chip_gen: v7x
topology: tpu7x:2x2x1
jax: 0.10.2.dev20260603
libtpu: 0.0.44.dev20260713+nightly
codegen_flags: <defaults>
</compile_context>

<pallas_src>
import functools
import math

import jax
import jax.numpy as jnp
from jax import lax
from jax.experimental import pallas as pl
from jax.experimental.pallas import tpu as pltpu
from jax.experimental.pallas import tpu_sc as plsc

_SCALE = 1000.0


def _tc_max_body(x_ref, o_ref):
    i = pl.program_id(0)
    bm = jnp.max(x_ref[...])

    @pl.when(i == 0)
    def _():
        o_ref[...] = jnp.full((1, 128), bm, jnp.float32)

    @pl.when(i != 0)
    def _():
        o_ref[...] = jnp.maximum(o_ref[...], bm)


def _global_max_128(x2d, rows_per_block):
    rows = x2d.shape[0]
    return pl.pallas_call(
        _tc_max_body,
        grid=(rows // rows_per_block,),
        in_specs=[pl.BlockSpec((rows_per_block, 128), lambda i: (i, 0))],
        out_specs=pl.BlockSpec((1, 128), lambda i: (0, 0)),
        out_shape=jax.ShapeDtypeStruct((1, 128), jnp.float32),
    )(x2d)


@functools.lru_cache(maxsize=None)
def _make_sc_penalty(n, size):
    info = plsc.get_sparse_core_info()
    ns = info.num_subcores
    nw = ns
    nt = n - 2
    tpw = ((nt + nw - 1) // nw + 15) // 16 * 16
    k_chunks = tpw // 16
    amax = size - 2
    mesh = plsc.VectorSubcoreMesh(
        core_axis_name="c", subcore_axis_name="s", num_cores=1)

    @functools.partial(
        pl.kernel,
        mesh=mesh,
        compiler_params=pltpu.CompilerParams(needs_layout_passes=False),
        out_type=jax.ShapeDtypeStruct((16,), jnp.float32),
        scratch_types=[
            pltpu.VMEM((tpw,), jnp.int32),
            pltpu.VMEM((tpw,), jnp.int32),
            pltpu.VMEM((tpw,), jnp.int32),
            pltpu.VMEM((tpw,), jnp.float32),
            pltpu.VMEM((tpw,), jnp.float32),
            pltpu.VMEM((tpw,), jnp.float32),
            pltpu.VMEM((16,), jnp.float32),
            pltpu.VMEM((nw * 16,), jnp.float32),
            pltpu.VMEM_SHARED((nw * 16,), jnp.float32),
            pltpu.SemaphoreType.DMA,
        ],
    )
    def sc_penalty(dist_hbm, out_hbm, idx1, idx2, idx3, v1, v2, v3,
                   pv, pall, shared, s1):
        wid = lax.axis_index("s")
        base = wid * tpw
        iota = lax.iota(jnp.int32, 16)
        i0 = base + iota
        a0 = (n + 1) * i0 - lax.shift_right_logical(i0 * (i0 + 1), 1) + 1

        def idx_body(k, carry):
            i_vec, a1 = carry
            a2 = a1 + (n - i_vec)
            idx1[pl.ds(16 * k, 16)] = jnp.minimum(a1, amax)
            idx2[pl.ds(16 * k, 16)] = jnp.minimum(a2, amax)
            idx3[pl.ds(16 * k, 16)] = jnp.minimum(a1, amax) + 1
            return (i_vec + 16, a1 + 16 * (n - i_vec) - 120)

        lax.fori_loop(0, k_chunks, idx_body, (i0, a0), unroll=False)
        pltpu.async_copy(dist_hbm.at[idx1], v1, s1)
        pltpu.async_copy(dist_hbm.at[idx2], v2, s1)
        c3 = pltpu.async_copy(dist_hbm.at[idx3], v3, s1)
        c3.wait()
        pltpu.make_async_copy(dist_hbm.at[idx1], v1, s1).wait()
        pltpu.make_async_copy(dist_hbm.at[idx2], v2, s1).wait()

        def pen_body(k, acc):
            d1 = jnp.exp(v1[pl.ds(16 * k, 16)])
            d2 = jnp.exp(v2[pl.ds(16 * k, 16)])
            d3 = jnp.exp(v3[pl.ds(16 * k, 16)])
            mx = jnp.maximum(d1, jnp.maximum(d2, d3))
            pen = jnp.maximum(2.0 * mx - (d1 + d2 + d3), 0.0)
            t_vec = base + 16 * k + iota
            return acc + jnp.where(t_vec < nt, pen, 0.0)

        acc = lax.fori_loop(0, k_chunks, pen_body,
                            jnp.zeros((16,), jnp.float32), unroll=False)
        pv[...] = acc
        pltpu.sync_copy(pv, shared.at[pl.ds(wid * 16, 16)])
        plsc.subcore_barrier()

        @pl.when(wid == 0)
        def _():
            pltpu.sync_copy(shared, pall)

            def red_body(w, tot):
                return tot + pall[pl.ds(16 * w, 16)]

            tot = lax.fori_loop(1, nw, red_body, pall[pl.ds(0, 16)],
                                unroll=False)
            s = jnp.sum(tot)
            pv[...] = jnp.zeros((16,), jnp.float32) + s
            pltpu.sync_copy(pv, out_hbm)

    return sc_penalty


def kernel(distance, n_residues):
    size = distance.shape[0]
    n = (math.isqrt(8 * size + 1) - 1) // 2
    rows = size // 128
    rows_per_block = rows // 3 if (rows % 3 == 0 and (rows // 3) % 8 == 0) else rows
    pen16 = _make_sc_penalty(n, size)(distance)
    m128 = _global_max_128(distance.reshape(rows, 128), rows_per_block)
    return pen16[0] * _SCALE / jnp.exp(m128[0, 0])

# --- scband reference (transcript-rebuilt; emitter-appended) ---
"""Pipeline reference for scband-triangle-inequality-81913616269938 (READ-ONLY COPY).

The authoritative reference and input builder live on the scoring server;
editing this copy changes nothing except your own understanding.
"""

import jax, jax.numpy as jnp
import numpy as np
import math

RATE = 100.0


def setup_inputs(seed: int = 0) -> dict:
    key = jax.random.key(seed)
    n = 2048
    size = n * (n + 1) // 2  # 2098176
    distance = jax.random.normal(key, (size,), dtype=jnp.float32)
    return {"distance": distance, "n_residues": n}


def reference(distance, n_residues):
    # dist_map = exp(distance): flattened upper-triangular (incl. diagonal) distance map
    dist_map = jnp.exp(distance)
    # static residue count from the triangular storage size: size = n*(n+1)//2
    size = distance.shape[0]
    n_static = (math.isqrt(8 * size + 1) - 1) // 2
    n = n_residues  # traced array, consumed in the index arithmetic below
    i = jnp.arange(n_static - 2)
    # triples of residue index pairs: (i,i+1), (i+1,i+2), (i,i+2)
    test_indice = jnp.stack([i, i + 1, i + 1, i + 2, i, i + 2], axis=1)
    test_indice = test_indice.reshape(-1, 3, 2)
    row = test_indice[:, :, 0]
    col = test_indice[:, :, 1]
    # flat index into upper-triangular storage: n*i - (i+1)*i//2 + j
    dist_map_indice = n * row - (row + 1) * row // 2 + col
    dist = jnp.take(dist_map, dist_map_indice)  # [n-2, 3]
    penalty = jax.nn.relu(2.0 * jnp.max(dist, axis=1) - jnp.sum(dist, axis=1))
    out_tensor = jnp.sum(penalty * RATE * 10.0 / jnp.max(dist_map))
    return out_tensor

if __name__ == "__main__":
    import jax
    _d = setup_inputs()
    print(jax.jit(kernel)(*tuple(_d.values())))

</pallas_src>

<mosaic_0001>
#map = affine_map<(d0, d1) -> (0)>
module attributes {stable_mosaic.version = 14 : i64} {
  func.func @sc_penalty(%arg0: i32, %arg1: i32, %arg2: memref<2098176xf32, #tpu.memory_space<hbm>>, %arg3: memref<16xf32, #tpu.memory_space<hbm>>, %arg4: memref<128xi32, #tpu.memory_space<vmem>>, %arg5: memref<128xi32, #tpu.memory_space<vmem>>, %arg6: memref<128xi32, #tpu.memory_space<vmem>>, %arg7: memref<128xf32, #tpu.memory_space<vmem>>, %arg8: memref<128xf32, #tpu.memory_space<vmem>>, %arg9: memref<128xf32, #tpu.memory_space<vmem>>, %arg10: memref<16xf32, #tpu.memory_space<vmem>>, %arg11: memref<256xf32, #tpu.memory_space<vmem>>, %arg12: memref<256xf32, #tpu.memory_space<vmem_shared>>, %arg13: memref<!tpu.dma_semaphore, #tpu.memory_space<semaphore_mem>>) attributes {dimension_semantics = [#tpu.dimension_semantics<core_parallel>, #tpu.dimension_semantics<subcore_parallel>], iteration_bounds = array<i64: 1, 16>, scalar_prefetch = 0 : i64, scratch_operands = 10 : i64, tpu.core_type = #tpu.core_type<sc_vector_subcore>, window_params = [{transform_indices = #map}, {transform_indices = #map}]} {
    %mul3A = arith.constant 128 : i32
    %mul3A_0 = arith.muli %arg1, %mul3A : i32
    %iota3A = tpu.iota {dimensions = array<i32: 0>} : vector<16xi32>
    %add3A = vector.broadcast %mul3A_0 : i32 to vector<16xi32>
    %add3A_1 = arith.addi %add3A, %iota3A : vector<16xi32>
    %mul3A_2 = arith.constant 2049 : i32
    %mul3A_3 = vector.broadcast %mul3A_2 : i32 to vector<16xi32>
    %mul3A_4 = arith.muli %mul3A_3, %add3A_1 : vector<16xi32>
    %add3A_5 = arith.constant 1 : i32
    %add3A_6 = vector.broadcast %add3A_5 : i32 to vector<16xi32>
    %add3A_7 = arith.addi %add3A_1, %add3A_6 : vector<16xi32>
    %mul3A_8 = arith.muli %add3A_1, %add3A_7 : vector<16xi32>
    %shift_right_logical3A = arith.constant 1 : i32
    %shift_right_logical3A_9 = vector.broadcast %shift_right_logical3A : i32 to vector<16xi32>
    %shift_right_logical3A_10 = arith.shrui %mul3A_8, %shift_right_logical3A_9 : vector<16xi32>
    %sub3A = arith.subi %mul3A_4, %shift_right_logical3A_10 : vector<16xi32>
    %add3A_11 = arith.constant 1 : i32
    %add3A_12 = vector.broadcast %add3A_11 : i32 to vector<16xi32>
    %add3A_13 = arith.addi %sub3A, %add3A_12 : vector<16xi32>
    %scan3A = arith.constant 0 : i32
    %scan3A_14 = arith.constant 8 : i32
    %scan3A_15 = arith.addi %scan3A, %scan3A_14 : i32
    %scan3A_16 = arith.constant 1 : i32
    %scan3A_17:2 = scf.for %scan3A_41 = %scan3A to %scan3A_15 step %scan3A_16 iter_args(%scan3A_42 = %add3A_1, %scan3A_43 = %add3A_13) -> (vector<16xi32>, vector<16xi32>)  : i32 {
      %sub3A_44 = arith.constant 2048 : i32
      %sub3A_45 = vector.broadcast %sub3A_44 : i32 to vector<16xi32>
      %sub3A_46 = arith.subi %sub3A_45, %scan3A_42 : vector<16xi32>
      %add3A_47 = arith.addi %scan3A_43, %sub3A_46 : vector<16xi32>
      %min3A = arith.constant 2098174 : i32
      %min3A_48 = vector.broadcast %min3A : i32 to vector<16xi32>
      %min3A_49 = arith.minsi %scan3A_43, %min3A_48 : vector<16xi32>
      %mul3A_50 = arith.constant 16 : i32
      %mul3A_51 = arith.muli %mul3A_50, %scan3A_41 : i32
      %swap3A_52 = arith.index_cast %mul3A_51 : i32 to index
      %swap3A_53 = tpu.vector_load %arg4[%swap3A_52] {strides = array<i32>} : memref<128xi32, #tpu.memory_space<vmem>>, vector<16xi32>,
      tpu.vector_store %arg4[%swap3A_52], %min3A_49 {strides = array<i32>} : memref<128xi32, #tpu.memory_space<vmem>>, vector<16xi32>,
      %min3A_54 = arith.constant 2098174 : i32
      %min3A_55 = vector.broadcast %min3A_54 : i32 to vector<16xi32>
      %min3A_56 = arith.minsi %add3A_47, %min3A_55 : vector<16xi32>
      %mul3A_57 = arith.constant 16 : i32
      %mul3A_58 = arith.muli %mul3A_57, %scan3A_41 : i32
      %swap3A_59 = arith.index_cast %mul3A_58 : i32 to index
      %swap3A_60 = tpu.vector_load %arg5[%swap3A_59] {strides = array<i32>} : memref<128xi32, #tpu.memory_space<vmem>>, vector<16xi32>,
      tpu.vector_store %arg5[%swap3A_59], %min3A_56 {strides = array<i32>} : memref<128xi32, #tpu.memory_space<vmem>>, vector<16xi32>,
      %min3A_61 = arith.constant 2098174 : i32
      %min3A_62 = vector.broadcast %min3A_61 : i32 to vector<16xi32>
      %min3A_63 = arith.minsi %scan3A_43, %min3A_62 : vector<16xi32>
      %add3A_64 = arith.constant 1 : i32
      %add3A_65 = vector.broadcast %add3A_64 : i32 to vector<16xi32>
      %add3A_66 = arith.addi %min3A_63, %add3A_65 : vector<16xi32>
      %mul3A_67 = arith.constant 16 : i32
      %mul3A_68 = arith.muli %mul3A_67, %scan3A_41 : i32
      %swap3A_69 = arith.index_cast %mul3A_68 : i32 to index
      %swap3A_70 = tpu.vector_load %arg6[%swap3A_69] {strides = array<i32>} : memref<128xi32, #tpu.memory_space<vmem>>, vector<16xi32>,
      tpu.vector_store %arg6[%swap3A_69], %add3A_66 {strides = array<i32>} : memref<128xi32, #tpu.memory_space<vmem>>, vector<16xi32>,
      %add3A_71 = arith.constant 16 : i32
      %add3A_72 = vector.broadcast %add3A_71 : i32 to vector<16xi32>
      %add3A_73 = arith.addi %scan3A_42, %add3A_72 : vector<16xi32>
      %sub3A_74 = arith.constant 2048 : i32
      %sub3A_75 = vector.broadcast %sub3A_74 : i32 to vector<16xi32>
      %sub3A_76 = arith.subi %sub3A_75, %scan3A_42 : vector<16xi32>
      %mul3A_77 = arith.constant 16 : i32
      %mul3A_78 = vector.broadcast %mul3A_77 : i32 to vector<16xi32>
      %mul3A_79 = arith.muli %mul3A_78, %sub3A_76 : vector<16xi32>
      %add3A_80 = arith.addi %scan3A_43, %mul3A_79 : vector<16xi32>
      %sub3A_81 = arith.constant 120 : i32
      %sub3A_82 = vector.broadcast %sub3A_81 : i32 to vector<16xi32>
      %sub3A_83 = arith.subi %add3A_80, %sub3A_82 : vector<16xi32>
      scf.yield %add3A_73, %sub3A_83 : vector<16xi32>, vector<16xi32>
    }
    %scan3A_18 = arith.constant 8 : i32
    %dma_start3A = arith.constant 0 : i32
    %dma_start3A_19 = tpu.memref_slice %arg2[%dma_start3A] : memref<2098176xf32, #tpu.memory_space<hbm>> -> memref<2098176xf32, #tpu.memory_space<hbm>>
    tpu.enqueue_indirect_dma source(%dma_start3A_19 : memref<2098176xf32, #tpu.memory_space<hbm>>) target(%arg7 : memref<128xf32, #tpu.memory_space<vmem>>) offsets(%arg4 : memref<128xi32, #tpu.memory_space<vmem>>) semaphore(%arg13 : memref<!tpu.dma_semaphore, #tpu.memory_space<semaphore_mem>>)
    %dma_start3A_20 = arith.constant 0 : i32
    %dma_start3A_21 = tpu.memref_slice %arg2[%dma_start3A_20] : memref<2098176xf32, #tpu.memory_space<hbm>> -> memref<2098176xf32, #tpu.memory_space<hbm>>
    tpu.enqueue_indirect_dma source(%dma_start3A_21 : memref<2098176xf32, #tpu.memory_space<hbm>>) target(%arg8 : memref<128xf32, #tpu.memory_space<vmem>>) offsets(%arg5 : memref<128xi32, #tpu.memory_space<vmem>>) semaphore(%arg13 : memref<!tpu.dma_semaphore, #tpu.memory_space<semaphore_mem>>)
    %dma_start3A_22 = arith.constant 0 : i32
    %dma_start3A_23 = tpu.memref_slice %arg2[%dma_start3A_22] : memref<2098176xf32, #tpu.memory_space<hbm>> -> memref<2098176xf32, #tpu.memory_space<hbm>>
    tpu.enqueue_indirect_dma source(%dma_start3A_23 : memref<2098176xf32, #tpu.memory_space<hbm>>) target(%arg9 : memref<128xf32, #tpu.memory_space<vmem>>) offsets(%arg6 : memref<128xi32, #tpu.memory_space<vmem>>) semaphore(%arg13 : memref<!tpu.dma_semaphore, #tpu.memory_space<semaphore_mem>>)
    %dma_wait3A = arith.constant 0 : i32
    %dma_wait3A_24 = tpu.memref_slice %arg2[%dma_wait3A] : memref<2098176xf32, #tpu.memory_space<hbm>> -> memref<2098176xf32, #tpu.memory_space<hbm>>
    tpu.wait_indirect_dma semaphore(%arg13 : memref<!tpu.dma_semaphore, #tpu.memory_space<semaphore_mem>>) src(%dma_wait3A_24 : memref<2098176xf32, #tpu.memory_space<hbm>>) dst(%arg9 : memref<128xf32, #tpu.memory_space<vmem>>)
    %dma_wait3A_25 = arith.constant 0 : i32
    %dma_wait3A_26 = tpu.memref_slice %arg2[%dma_wait3A_25] : memref<2098176xf32, #tpu.memory_space<hbm>> -> memref<2098176xf32, #tpu.memory_space<hbm>>
    tpu.wait_indirect_dma semaphore(%arg13 : memref<!tpu.dma_semaphore, #tpu.memory_space<semaphore_mem>>) src(%dma_wait3A_26 : memref<2098176xf32, #tpu.memory_space<hbm>>) dst(%arg7 : memref<128xf32, #tpu.memory_space<vmem>>)
    %dma_wait3A_27 = arith.constant 0 : i32
    %dma_wait3A_28 = tpu.memref_slice %arg2[%dma_wait3A_27] : memref<2098176xf32, #tpu.memory_space<hbm>> -> memref<2098176xf32, #tpu.memory_space<hbm>>
    tpu.wait_indirect_dma semaphore(%arg13 : memref<!tpu.dma_semaphore, #tpu.memory_space<semaphore_mem>>) src(%dma_wait3A_28 : memref<2098176xf32, #tpu.memory_space<hbm>>) dst(%arg8 : memref<128xf32, #tpu.memory_space<vmem>>)
    %broadcast_in_dim3A = arith.constant 0.000000e+00 : f32
    %broadcast_in_dim3A_29 = vector.broadcast %broadcast_in_dim3A : f32 to vector<16xf32>
    %scan3A_30 = arith.constant 0 : i32
    %scan3A_31 = arith.constant 8 : i32
    %scan3A_32 = arith.addi %scan3A_30, %scan3A_31 : i32
    %scan3A_33 = arith.constant 1 : i32
    %scan3A_34 = scf.for %scan3A_41 = %scan3A_30 to %scan3A_32 step %scan3A_33 iter_args(%scan3A_42 = %broadcast_in_dim3A_29) -> (vector<16xf32>)  : i32 {
      %mul3A_43 = arith.constant 16 : i32
      %mul3A_44 = arith.muli %mul3A_43, %scan3A_41 : i32
      %get3A = arith.index_cast %mul3A_44 : i32 to index
      %get3A_45 = tpu.vector_load %arg7[%get3A] {strides = array<i32>} : memref<128xf32, #tpu.memory_space<vmem>>, vector<16xf32>,
      %exp3A = math.exp %get3A_45 : vector<16xf32>
      %mul3A_46 = arith.constant 16 : i32
      %mul3A_47 = arith.muli %mul3A_46, %scan3A_41 : i32
      %get3A_48 = arith.index_cast %mul3A_47 : i32 to index
      %get3A_49 = tpu.vector_load %arg8[%get3A_48] {strides = array<i32>} : memref<128xf32, #tpu.memory_space<vmem>>, vector<16xf32>,
      %exp3A_50 = math.exp %get3A_49 : vector<16xf32>
      %mul3A_51 = arith.constant 16 : i32
      %mul3A_52 = arith.muli %mul3A_51, %scan3A_41 : i32
      %get3A_53 = arith.index_cast %mul3A_52 : i32 to index
      %get3A_54 = tpu.vector_load %arg9[%get3A_53] {strides = array<i32>} : memref<128xf32, #tpu.memory_space<vmem>>, vector<16xf32>,
      %exp3A_55 = math.exp %get3A_54 : vector<16xf32>
      %max3A = arith.maximumf %exp3A_50, %exp3A_55 : vector<16xf32>
      %max3A_56 = arith.maximumf %exp3A, %max3A : vector<16xf32>
      %mul3A_57 = arith.constant 2.000000e+00 : f32
      %mul3A_58 = vector.broadcast %mul3A_57 : f32 to vector<16xf32>
      %mul3A_59 = arith.mulf %mul3A_58, %max3A_56 : vector<16xf32>
      %add3A_60 = arith.addf %exp3A, %exp3A_50 : vector<16xf32>
      %add3A_61 = arith.addf %add3A_60, %exp3A_55 : vector<16xf32>
      %sub3A_62 = arith.subf %mul3A_59, %add3A_61 : vector<16xf32>
      %max3A_63 = arith.constant 0.000000e+00 : f32
      %max3A_64 = vector.broadcast %max3A_63 : f32 to vector<16xf32>
      %max3A_65 = arith.maximumf %sub3A_62, %max3A_64 : vector<16xf32>
      %mul3A_66 = arith.constant 16 : i32
      %mul3A_67 = arith.muli %mul3A_66, %scan3A_41 : i32
      %add3A_68 = arith.addi %mul3A_0, %mul3A_67 : i32
      %add3A_69 = vector.broadcast %add3A_68 : i32 to vector<16xi32>
      %add3A_70 = arith.addi %add3A_69, %iota3A : vector<16xi32>
      %lt3A = arith.constant 2046 : i32
      %lt3A_71 = vector.broadcast %lt3A : i32 to vector<16xi32>
      %lt3A_72 = arith.cmpi slt, %add3A_70, %lt3A_71 : vector<16xi32>
      %jit3A = arith.constant 0.000000e+00 : f32
      %broadcast_in_dim3A_73 = vector.broadcast %jit3A : f32 to vector<16xf32>
      %select_n3A = arith.select %lt3A_72, %max3A_65, %broadcast_in_dim3A_73 : vector<16xi1>, vector<16xf32>
      %add3A_74 = arith.addf %scan3A_42, %select_n3A : vector<16xf32>
      scf.yield %add3A_74 : vector<16xf32>
    }
    %scan3A_35 = arith.constant 8 : i32
    %swap3A = arith.constant 0 : index
    %swap3A_36 = tpu.vector_load %arg10[%swap3A] {strides = array<i32>} : memref<16xf32, #tpu.memory_space<vmem>>, vector<16xf32>,
    tpu.vector_store %arg10[%swap3A], %scan3A_34 {strides = array<i32>} : memref<16xf32, #tpu.memory_space<vmem>>, vector<16xf32>,
    %mul3A_37 = arith.constant 16 : i32
    %mul3A_38 = arith.muli %arg1, %mul3A_37 : i32
    "tpu.region"() ({
      %run_scoped3A = tpu.sem_alloc : memref<!tpu.dma_semaphore, #tpu.memory_space<semaphore_mem>>
      %dma_start3A_41 = tpu.memref_slice %arg12[%mul3A_38] : memref<256xf32, #tpu.memory_space<vmem_shared>> -> memref<16xf32, #tpu.memory_space<vmem_shared>>
      %dma_start3A_42 = tpu.memref_slice %arg12[%mul3A_38] : memref<256xf32, #tpu.memory_space<vmem_shared>> -> memref<16xf32, #tpu.memory_space<vmem_shared>>
      tpu.enqueue_dma source(%arg10 : memref<16xf32, #tpu.memory_space<vmem>>) target(%dma_start3A_42 : memref<16xf32, #tpu.memory_space<vmem_shared>>) target_semaphore(%run_scoped3A : memref<!tpu.dma_semaphore, #tpu.memory_space<semaphore_mem>>)
      %dma_wait3A_43 = tpu.memref_slice %arg12[%mul3A_38] : memref<256xf32, #tpu.memory_space<vmem_shared>> -> memref<16xf32, #tpu.memory_space<vmem_shared>>
      %dma_wait3A_44 = tpu.memref_slice %arg12[%mul3A_38] : memref<256xf32, #tpu.memory_space<vmem_shared>> -> memref<16xf32, #tpu.memory_space<vmem_shared>>
      tpu.wait_dma2 semaphore(%run_scoped3A : memref<!tpu.dma_semaphore, #tpu.memory_space<semaphore_mem>>) src(%arg10 : memref<16xf32, #tpu.memory_space<vmem>>) dst(%dma_wait3A_44 : memref<16xf32, #tpu.memory_space<vmem_shared>>)
      tpu.yield
    }) : () -> ()
    %barrier3A = arith.constant 0 : index
    tpu.barrier barrier_id(%barrier3A)
    %eq3A = arith.constant 0 : i32
    %eq3A_39 = arith.cmpi eq, %arg1, %eq3A : i32
    %convert_element_type3A = arith.extui %eq3A_39 : i1 to i32
    %cond3A = arith.constant 0 : i32
    %cond3A_40 = arith.cmpi ne, %convert_element_type3A, %cond3A : i32
    scf.if %cond3A_40 {
      "tpu.region"() ({
        %run_scoped3A = tpu.sem_alloc : memref<!tpu.dma_semaphore, #tpu.memory_space<semaphore_mem>>
        tpu.enqueue_dma source(%arg12 : memref<256xf32, #tpu.memory_space<vmem_shared>>) target(%arg11 : memref<256xf32, #tpu.memory_space<vmem>>) target_semaphore(%run_scoped3A : memref<!tpu.dma_semaphore, #tpu.memory_space<semaphore_mem>>)
        tpu.wait_dma2 semaphore(%run_scoped3A : memref<!tpu.dma_semaphore, #tpu.memory_space<semaphore_mem>>) src(%arg12 : memref<256xf32, #tpu.memory_space<vmem_shared>>) dst(%arg11 : memref<256xf32, #tpu.memory_space<vmem>>)
        tpu.yield
      }) : () -> ()
      %get3A = arith.constant 0 : index
      %get3A_41 = tpu.vector_load %arg11[%get3A] {strides = array<i32>} : memref<256xf32, #tpu.memory_space<vmem>>, vector<16xf32>,
      %scan3A_42 = arith.constant 1 : i32
      %scan3A_43 = arith.constant 15 : i32
      %scan3A_44 = arith.addi %scan3A_42, %scan3A_43 : i32
      %scan3A_45 = arith.constant 1 : i32
      %scan3A_46 = scf.for %scan3A_57 = %scan3A_42 to %scan3A_44 step %scan3A_45 iter_args(%scan3A_58 = %get3A_41) -> (vector<16xf32>)  : i32 {
        %mul3A_59 = arith.constant 16 : i32
        %mul3A_60 = arith.muli %mul3A_59, %scan3A_57 : i32
        %get3A_61 = arith.index_cast %mul3A_60 : i32 to index
        %get3A_62 = tpu.vector_load %arg11[%get3A_61] {strides = array<i32>} : memref<256xf32, #tpu.memory_space<vmem>>, vector<16xf32>,
        %add3A_63 = arith.addf %scan3A_58, %get3A_62 : vector<16xf32>
        scf.yield %add3A_63 : vector<16xf32>
      }
      %scan3A_47 = arith.constant 15 : i32
      %reduce_sum3A = arith.constant true
      %reduce_sum3A_48 = vector.broadcast %reduce_sum3A : i1 to vector<16xi1>
      %reduce_sum3A_49 = tpu.scan <sum>, %scan3A_46 masked %reduce_sum3A_48 : vector<16xf32>, vector<16xi1> -> vector<16xf32>
      %reduce_sum3A_50 = vector.extract %reduce_sum3A_49[15] : f32 from vector<16xf32>
      %broadcast_in_dim3A_51 = arith.constant 0.000000e+00 : f32
      %broadcast_in_dim3A_52 = vector.broadcast %broadcast_in_dim3A_51 : f32 to vector<16xf32>
      %add3A_53 = vector.broadcast %reduce_sum3A_50 : f32 to vector<16xf32>
      %add3A_54 = arith.addf %broadcast_in_dim3A_52, %add3A_53 : vector<16xf32>
      %swap3A_55 = arith.constant 0 : index
      %swap3A_56 = tpu.vector_load %arg10[%swap3A_55] {strides = array<i32>} : memref<16xf32, #tpu.memory_space<vmem>>, vector<16xf32>,
      tpu.vector_store %arg10[%swap3A_55], %add3A_54 {strides = array<i32>} : memref<16xf32, #tpu.memory_space<vmem>>, vector<16xf32>,
      "tpu.region"() ({
        %run_scoped3A = tpu.sem_alloc : memref<!tpu.dma_semaphore, #tpu.memory_space<semaphore_mem>>
        tpu.enqueue_dma source(%arg10 : memref<16xf32, #tpu.memory_space<vmem>>) target(%arg3 : memref<16xf32, #tpu.memory_space<hbm>>) target_semaphore(%run_scoped3A : memref<!tpu.dma_semaphore, #tpu.memory_space<semaphore_mem>>)
        tpu.wait_dma2 semaphore(%run_scoped3A : memref<!tpu.dma_semaphore, #tpu.memory_space<semaphore_mem>>) src(%arg10 : memref<16xf32, #tpu.memory_space<vmem>>) dst(%arg3 : memref<16xf32, #tpu.memory_space<hbm>>)
        tpu.yield
      }) : () -> ()
    } else {
    }
    return
  }
}

module attributes {stable_mosaic.version = 14 : i64} {
  func.func @_tc_max_body(%arg0: i32, %arg1: memref<5464x128xf32, #tpu.memory_space<vmem>>, %arg2: memref<1x128xf32, #tpu.memory_space<vmem>>) attributes {dimension_semantics = [#tpu.dimension_semantics<arbitrary>], iteration_bounds = array<i64: 3>, scalar_prefetch = 0 : i64, scratch_operands = 0 : i64, tpu.core_type = #tpu.core_type<tc>, window_params = [{transform_indices = @transform_0, window_bounds = array<i64: 5464, 128>}, {pipeline_mode = #tpu.pipeline_mode<synchronous>, transform_indices = @transform_1, window_bounds = array<i64: 1, 128>}]} {
    %get3A = arith.constant 0 : index
    %get3A_0 = arith.constant 0 : index
    %get3A_1 = vector.load %arg1[%get3A, %get3A_0] : memref<5464x128xf32, #tpu.memory_space<vmem>>, vector<5464x128xf32>
    %reduce_max3A = vector.shape_cast %get3A_1 : vector<5464x128xf32> to vector<1x5464x128xf32>
    %reduce_max3A_2 = arith.constant dense<0xFF800000> : vector<1xf32>
    %reduce_max3A_3 = vector.multi_reduction <maximumf>, %reduce_max3A, %reduce_max3A_2 [1, 2] : vector<1x5464x128xf32> to vector<1xf32>
    %reduce_max3A_4 = vector.shape_cast %reduce_max3A_3 : vector<1xf32> to vector<1x1x1xf32>
    %reduce_max3A_5 = vector.extract %reduce_max3A_4[0, 0, 0] : f32 from vector<1x1x1xf32>
    %eq3A = arith.constant 0 : i32
    %eq3A_6 = arith.cmpi eq, %arg0, %eq3A : i32
    %convert_element_type3A = arith.extui %eq3A_6 : i1 to i32
    %cond3A = arith.constant 0 : i32
    %cond3A_7 = arith.cmpi ne, %convert_element_type3A, %cond3A : i32
    scf.if %cond3A_7 {
      %broadcast_in_dim3A = vector.broadcast %reduce_max3A_5 : f32 to vector<1x128xf32>
      %swap3A = arith.constant 0 : index
      %swap3A_12 = arith.constant 0 : index
      %swap3A_13 = vector.load %arg2[%swap3A, %swap3A_12] : memref<1x128xf32, #tpu.memory_space<vmem>>, vector<1x128xf32>
      tpu.vector_store %arg2[%swap3A, %swap3A_12], %broadcast_in_dim3A {strides = array<i32>} : memref<1x128xf32, #tpu.memory_space<vmem>>, vector<1x128xf32>,
    } else {
    }
    %ne3A = arith.constant 0 : i32
    %ne3A_8 = arith.cmpi ne, %arg0, %ne3A : i32
    %convert_element_type3A_9 = arith.extui %ne3A_8 : i1 to i32
    %cond3A_10 = arith.constant 0 : i32
    %cond3A_11 = arith.cmpi ne, %convert_element_type3A_9, %cond3A_10 : i32
    scf.if %cond3A_11 {
      %get3A_12 = arith.constant 0 : index
      %get3A_13 = arith.constant 0 : index
      %get3A_14 = vector.load %arg2[%get3A_12, %get3A_13] : memref<1x128xf32, #tpu.memory_space<vmem>>, vector<1x128xf32>
      %max3A = vector.broadcast %reduce_max3A_5 : f32 to vector<1x128xf32>
      %max3A_15 = arith.maximumf %get3A_14, %max3A : vector<1x128xf32>
      %swap3A = arith.constant 0 : index
      %swap3A_16 = arith.constant 0 : index
      %swap3A_17 = vector.load %arg2[%swap3A, %swap3A_16] : memref<1x128xf32, #tpu.memory_space<vmem>>, vector<1x128xf32>
      tpu.vector_store %arg2[%swap3A, %swap3A_16], %max3A_15 {strides = array<i32>} : memref<1x128xf32, #tpu.memory_space<vmem>>, vector<1x128xf32>,
    } else {
    }
    return
  }
  func.func @transform_0(%arg0: i32) -> (i32, i32) {
    %c0_i32 = arith.constant 0 : i32
    %c0_i32_0 = arith.constant 0 : i32
    return %arg0, %c0_i32 : i32, i32
  }
  func.func @transform_1(%arg0: i32) -> (i32, i32) {
    %c0_i32 = arith.constant 0 : i32
    %c0_i32_0 = arith.constant 0 : i32
    %c0_i32_1 = arith.constant 0 : i32
    return %c0_i32, %c0_i32_0 : i32, i32
  }
}

</mosaic_0001>

<sc_bundles>
// kernel: kernel.4.cloned.1.call-start
scs
__scs_entry_jumppad:
0x0: {  	(pc) =	sbr.rel $0x88, $3  }
0x1: {  	(tag) =	ssettag $0x0;
	lr =	simm.s32 $0x1  }
0x2: {  	[smem:$0x3FA0] =	sst lr;
	_ =	strace $0xD0000000  }
0x3: {  	_ = 	snop  }
0x4: {  	_ = 	snop  }
0x5: {  	_ = 	snop  }
0x6: {  	_ = 	snop  }
0x7: {  	_ = 	snop  }
__scs_overlays_trampoline_lowered:
0x8: {  	[smem:$0x3FAF] =	sst s0  }
0x9: {  	[smem:$0x3FB0] =	sst s1  }
0xa: {  	[smem:$0x3FB1] =	sst s2  }
0xb: {  	[smem:$0x3FB2] =	sst s3  }
0xc: {  	[smem:$0x3FB3] =	sst s4  }
0xd: {  	[smem:$0x3FB4] =	sst s5  }
0xe: {  	[smem:$0x3FB5] =	sst s6  }
0xf: {  	[smem:$0x3FB6] =	sst s7  }
0x10: {  	[smem:$0x3FB7] =	sst s8  }
0x11: {  	[smem:$0x3FB8] =	sst s9;
	s0 =	simm.s32 @!p0 $0x0  }
0x12: {  	s1 =	sld [smem:$0x3F9E];
	s0 =	simm.s32 @p0 $0x1  }
0x13: {  	[smem:$0x3FB9] =	sst s0;
	s0 =	simm.s32 @!p1 $0x0  }
0x14: {  	s2 =	sld [smem:$0x3F9D];
	s0 =	simm.s32 @p1 $0x1  }
0x15: {  	[smem:$0x3FBA] =	sst s0;
	s0 =	simm.s32 @!p2 $0x0  }
0x16: {  	s3 =	sld [smem:$0x3FDB];
	s0 =	simm.s32 @p2 $0x1  }
0x17: {  	s4 =	simm.s32 $0x1BF5;
	[smem:$0x3FBC] =	sst s0  }
0x18: {  	s0 =	sld [smem:$0x3F9F];
	_ =	swait.ge [sflag:s4], $0x0  }
0x19: {  	s7 =	sld [smem:$0x3FA0]  }
0x1a: {  	s8 =	sadd.s32 $0xFFFFE003, lr  }
0x1b: {  	s9 =	sadd.s32 $0xFFFFFEF7, lr;
	s5 =	simm.s32 $0xFFFFFFFF;
	p2 =	slt.u32 s8, $0xFFFFF086  }
0x1c: {  	p1 =	slt.u32 s9, $0xF7A;
	s5 =	simm.s32 @!p2 $0x0  }
0x1d: {  	s5 =	simm.s32 @p1 $0x1;
	p0 =	seq.s32 s7, s2  }
0x1e: {  	s7 =	smul.u32 @!p0 $0xF7A, s2;
	p2 =	seq.s32 @!p0 s5, $0x0  }
0x1f: {  	s9 =	smul.u32 $0xF7A, s1;
	s8 =	simm.s32 @!p0 $0x1BF5;
	p2 =	por !p2, p0  }
0x20: {  	[sflag:s8] =	ssyncset.s32 @!p0 $0xFFFFF086;
	s6 =	sadd.s32 @!p0 s3, s7;
	s7 =	simm.s32 @!p0 $0x108  }
0x21: {  	s3 =	sadd.s32 s3, s9;
	s6 =	sadd.s32 @!p0 $0x88, s6;
	s7 =	simm.s32 @p2 $0x1082  }
0x22: {  	[simem:s7], [sflag:s8] =	dma.local @!p0 [hbm:s6], $0xF7A  }
0x23: {  	s9 =	sor.u32 $0xD0000000, s2;
	s6 =	simm.s32 $0x108;
	_ =	swait.ge @!p0 [sflag:s8], $0x0  }
0x24: {  	s3 =	sadd.s32 $0x88, s3;
	s6 =	simm.s32 @!p1 $0x1082;
	[sflag:s4] =	ssyncset.s32 $0xFFFFF086  }
0x25: {  	[simem:s6], [sflag:s4] =	dma.local [hbm:s3], $0xF7A  }
0x26: {  	[smem:$0x3FA0] =	sst s1;
	(tag) =	ssettag s2;
	_ =	strace s9  }
0x27: {  	s1 =	sld [smem:$0x3FB0]  }
0x28: {  	s2 =	sld [smem:$0x3FB1]  }
0x29: {  	s4 =	sld [smem:$0x3FB3]  }
0x2a: {  	p0 =	seq.s32 s5, $0x0;
	s5 =	sld [smem:$0x3FB4]  }
0x2b: {  	s6 =	sld [smem:$0x3FB5]  }
0x2c: {  	s7 =	sld [smem:$0x3FB6]  }
0x2d: {  	s3 =	simm.s32 $0x108;
	s8 =	sld [smem:$0x3FB7]  }
0x2e: {  	s3 =	simm.s32 @!p0 $0x1082;
	s9 =	sld [smem:$0x3FB8]  }
0x2f: {  	lr =	sadd.s32 s0, s3;
	s0 =	sld [smem:$0x3FAF]  }
0x30: {  	s3 =	sld [smem:$0x3FB2]  }
0x31: {  	[smem:$0x3FBB] =	sst s10  }
0x32: {  	s10 =	sld [smem:$0x3FB9];
	_ =	sdelay $0x3  }
0x33: {  	p0 =	seq.s32 s10, $0x1;
	s10 =	sld [smem:$0x3FBB];
	_ =	sdelay $0x3  }
0x34: {  	[smem:$0x3FBB] =	sst s10  }
0x35: {  	s10 =	sld [smem:$0x3FBA];
	_ =	sdelay $0x3  }
0x36: {  	p1 =	seq.s32 s10, $0x1;
	s10 =	sld [smem:$0x3FBB];
	_ =	sdelay $0x3  }
0x37: {  	[smem:$0x3FBB] =	sst s10  }
0x38: {  	s10 =	sld [smem:$0x3FBC]  }
0x39: {  	_ = 	snop;
	(pc) =	sbr.ind lr, $3  }
0x3a: {  	_ = 	snop  }
0x3b: {  	_ = 	snop  }
0x3c: {  	p2 =	seq.s32 s10, $0x1;
	s10 =	sld [smem:$0x3FBB]  }
0x3d: {  	_ =	shalt  }
0x3e: {  	_ =	shalt  }
0x3f: {  	_ =	shalt  }
0x40: {  	_ =	shalt  }
0x41: {  	_ =	shalt  }
0x42: {  	_ =	shalt  }
0x43: {  	_ =	shalt  }
0x44: {  	_ =	shalt  }
0x45: {  	_ =	shalt  }
0x46: {  	_ =	shalt  }
0x47: {  	_ =	shalt  }
0x48: {  	_ =	shalt  }
0x49: {  	_ =	shalt  }
0x4a: {  	_ =	shalt  }
0x4b: {  	_ =	shalt  }
0x4c: {  	_ =	shalt  }
0x4d: {  	_ =	shalt  }
0x4e: {  	_ =	shalt  }
0x4f: {  	_ =	shalt  }
0x50: {  	_ =	shalt  }
0x51: {  	_ =	shalt  }
0x52: {  	_ =	shalt  }
0x53: {  	_ =	shalt  }
0x54: {  	_ =	shalt  }
0x55: {  	_ =	shalt  }
0x56: {  	_ =	shalt  }
0x57: {  	_ =	shalt  }
0x58: {  	_ =	shalt  }
0x59: {  	_ =	shalt  }
0x5a: {  	_ =	shalt  }
0x5b: {  	_ =	shalt  }
0x5c: {  	_ =	shalt  }
0x5d: {  	_ =	shalt  }
0x5e: {  	_ =	shalt  }
0x5f: {  	_ =	shalt  }
0x60: {  	_ =	shalt  }
0x61: {  	_ =	shalt  }
0x62: {  	_ =	shalt  }
0x63: {  	_ =	shalt  }
0x64: {  	_ =	shalt  }
0x65: {  	_ =	shalt  }
0x66: {  	_ =	shalt  }
0x67: {  	_ =	shalt  }
0x68: {  	_ =	shalt  }
0x69: {  	_ =	shalt  }
0x6a: {  	_ =	shalt  }
0x6b: {  	_ =	shalt  }
0x6c: {  	_ =	shalt  }
0x6d: {  	_ =	shalt  }
0x6e: {  	_ =	shalt  }
0x6f: {  	_ =	shalt  }
0x70: {  	_ =	shalt  }
0x71: {  	_ =	shalt  }
0x72: {  	_ =	shalt  }
0x73: {  	_ =	shalt  }
0x74: {  	_ =	shalt  }
0x75: {  	_ =	shalt  }
0x76: {  	_ =	shalt  }
0x77: {  	_ =	shalt  }
0x78: {  	_ =	shalt  }
0x79: {  	_ =	shalt  }
0x7a: {  	_ =	shalt  }
0x7b: {  	_ =	shalt  }
0x7c: {  	_ =	shalt  }
0x7d: {  	_ =	shalt  }
0x7e: {  	_ =	shalt  }
0x7f: {  	_ =	shalt  }
0x80: {  	_ =	shalt  }
0x81: {  	_ =	shalt  }
0x82: {  	_ =	shalt  }
0x83: {  	_ =	shalt  }
0x84: {  	_ =	shalt  }
0x85: {  	_ =	shalt  }
0x86: {  	_ =	shalt  }
0x87: {  	_ =	shalt  }
.Lfunc_end0:
.L_simem_size_0:
called_computation_lowered:
.L_overlay_start_0:
0x88: {  	s0 =	sld [smem:$0x3FD9]  }
0x89: {  	s1 =	sld [smem:$0x3FFE];
	_ =	sdelay $0x3  }
0x8a: {  	s0 =	sadd.s32 s1, s0  }
0x8b: {  	[smem:$0x3FC7] =	sst s0  }
0x8c: {  	_ = 	snop  }
0x8d: {  	s0 =	sld [smem:$0x3FC9]  }
0x8e: {  	s17 =	sld [smem:$0x3FD0];
	(tm) =	ssettm $0x1  }
0x8f: {  	s2 =	sld [smem:$0x3FFB];
	_ =	sdelay $0x3  }
0x90: {  	_ =	strace s2  }
0x91: {  	s2 =	sld [smem:$0x3FFC];
	_ =	sdelay $0x3  }
0x92: {  	_ =	strace s2  }
0x93: {  	s2 =	sld [smem:$0x3FFD];
	_ =	sdelay $0x3  }
0x94: {  	_ =	strace s2  }
0x95: {  	_ =	strace $0x8FFFFFFF  }
0x96: {  	s18 =	sld [smem:$0x3FDB];
	_ =	sdelay $0x1  }
0x97: {  	s3 =	simm.s32 $_scs_section_size  }
0x98: {  	s4 =	simm.s32 $_size__tile_overlayer_lowered;
	s5 =	simm.s32 $_tile_overlayer_lowered  }
0x99: {  	s21 =	simm.s32 $0x1BFF;
	s20 =	sshll.u32 s5, $0x1;
	s2 =	sadd.s32 s3, s18  }
0x9a: {  	s6 =	simm.s32 $0x0;
	s19 =	sshll.u32 s4, $0x1;
	s4 =	sadd.s32 s20, s2  }
0x9b: {  	[timem:s6], [sflag:s21] =	dma.local [hbm:s4], s19  }
0x9c: {  	_ =	swait.ge [sflag:s21], s19  }
0x9d: {  	s3 =	ssub.s32 $0x0, s19;
	[sflag:s21] =	ssyncset.done $0x0  }
0x9e: {  	[sflag:s21] =	ssyncadd.s32 s3;
	_ =	sdelay $0x1  }
0x9f: {  	s22 =	simm.s32 $0x1B8B  }
0xa0: {  	_ =	swait.ge [sflag:s22], $0x1  }
0xa1: {  	[sflag:s22] =	ssyncset.done $0x0  }
0xa2: {  	s23 =	simm.s32 $0x1B8E;
	[sflag:s22] =	ssyncadd.s32 $0xFFFFFFFF  }
0xa3: {  	s24 =	simm.s32 $execute0_lowered;
	[smem:$0x3FD2] =	sst s23  }
0xa4: {  	s3 =	sshll.u32 s24, $0x1;
	_ =	strace $0x80000046;
	[dreg:$0x1] =	wrdreg $0xFFFFFFFF  }
0xa5: {  	s25 =	simm.s32 $_size_execute0_lowered;
	s2 =	sadd.s32 s2, s3;
	[dreg:$0x0] =	wrdreg $0x0  }
0xa6: {  	s3 =	sshll.u32 s25, $0x1;
	[dreg:$0x2] =	wrdreg s2  }
0xa7: {  	[dreg:$0x3] =	wrdreg s3  }
0xa8: {  	[dreg:$0x4] =	wrdreg $0xC0  }
0xa9: {  	_ =	task [dreg:s6], $0x5FFFF  }
0xaa: {  	[dreg:$0x1] =	wrdreg $0xFFFFFFFF  }
0xab: {  	[dreg:$0x0] =	wrdreg $0x60  }
0xac: {  	[dreg:$0x2] =	wrdreg s0  }
0xad: {  	[dreg:$0x3] =	wrdreg s17  }
0xae: {  	[dreg:$0x4] =	wrdreg $0x4800  }
0xaf: {  	[dreg:$0x5] =	wrdreg $0x9  }
0xb0: {  	_ =	task.clear_ibuf [dreg:s6], $0x6FFFF;
	_ =	strace $0x90000046  }
0xb1: {  	s26 =	simm.s32 $0x9;
	_ =	strace $0x80000048  }
0xb2: {  	_ =	swait.ge [sflag:s26], $0x1  }
0xb3: {  	[sflag:s26] =	ssyncadd.s32 $0xFFFFFFFF  }
0xb4: {  	_ =	strace $0x90000048  }
0xb5: {  	_ =	sfence  }
0xb6: {  	s28 =	sld [smem:$0x0];
	_ =	sdelay $0x1  }
0xb7: {  	s29 =	srdreg.scid  }
0xb8: {  	s30 =	sshll.u32 s29, $0xD;
	s31 =	sshrl.u32 s29, $0x2  }
0xb9: {  	s1 =	sand.u32 $0x1, s29;
	s2 =	sand.u32 $0x4000, s30;
	s0 =	sadd.s32 s31, s28  }
0xba: {  	s1 =	sor.u32 s2, s1;
	s0 =	sshll.u32 s0, $0x11  }
0xbb: {  	s0 =	sor.u32 s0, s1  }
0xbc: {  	s0 =	sadd.s32 $0x8F2B, s0  }
0xbd: {  	[sflag:s0] =	ssyncadd.remote.s32 $0x1  }
0xbe: {  	_ =	sfence.sel $0xFFFF  }
0xbf: {  	[dreg:$0x0] =	wrdreg $0xFFFFFFFF;
	(pc) =	sbr.abs _section_cstart, $3  }
0xc0: {  	[dreg:$0x1] =	wrdreg $0xFFFFFFFF  }
0xc1: {  	_ =	task.clear_ibuf [dreg:s6], $0x2FFFF;
	_ =	strace $0x9FFFFFFF  }
0xc2: {  	(tm) =	ssettm $0x7FFFFFFF  }
0xc3: {  	_ =	shalt  }
tec
execute0_lowered:
.L_overlay_start_1:
0x0: {  	(tag) =	ssettag $0x1  }
0x1: {  	s2 =	stileid.u32;
	v0 =	vlaneseq.u32  }
0x2: {  	s4 =	sshll.u32 s2, $0x7;
	v1 =	vadd.s32 $0x1, v0  }
0x3: {  	v2 =	vor.u32 s4, v0;
	v1 =	vor.u32 s4, v1  }
0x4: {  	v1 =	vmul.u32 v1, v2  }
0x5: {  	v0 =	vmul.u32 $0xFFFFFFFF, v0;
	v2 =	vmul.u32 $0x801, v2  }
0x6: {  	v1 =	vshrl.u32 v1, $0x1  }
0x7: {  	v3 =	vadd.s32 $0x800, v0;
	v1 =	vsub.s32 v2, v1;
	v2 =	vmov s4  }
0x8: {  	v1 =	vadd.s32 $0x1, v1;
	v3 =	vsub.s32 v3, v2  }
0x9: {  	vm0 =	vlt.s32 v1, $0x2003FE;
	v4 =	vadd.s32 v3, v1;
	v3 =	vshll.u32 v3, $0x4  }
0xa: {  	v5 =	vnsel vm0, $0x2003FE, v1;
	vm13 =	vlt.s32 v4, $0x2003FE;
	v1 =	vadd.s32 v3, v1  }
0xb: {  	v3 =	vadd.s32 $0x7F0, v0;
	v4 =	vnsel vm13, $0x2003FE, v4;
	v1 =	vadd.s32 $0xFFFFFF88, v1  }
0xc: {  	s5 =	rddreg [dreg:$0x0];
	v3 =	vsub.s32 v3, v2;
	v6 =	vadd.s32 $0x1, v5;
	vm14 =	vlt.s32 v1, $0x2003FE  }
0xd: {  	s1 =	rddreg [dreg:$0x1];
	v7 =	vadd.s32 v3, v1;
	v3 =	vshll.u32 v3, $0x4;
	v8 =	vnsel vm14, $0x2003FE, v1  }
0xe: {  	s3 =	rddreg [dreg:$0x2];
	vm15 =	vlt.s32 v7, $0x2003FE;
	v1 =	vadd.s32 v3, v1;
	v3 =	vadd.s32 $0x7E0, v0  }
0xf: {  	s0 =	rddreg [dreg:$0x3];
	_ =	strace $0x80000047;
	[tilespmem:$0x0] =	vst v5;
	v7 =	vnsel vm15, $0x2003FE, v7;
	v1 =	vadd.s32 $0xFFFFFF88, v1;
	v3 =	vsub.s32 v3, v2  }
0x10: {  	[tilespmem:$0x80] =	vst v4;
	v5 =	vadd.s32 $0x1, v8;
	v4 =	vadd.s32 v3, v1;
	vm4 =	vlt.s32 v1, $0x2003FE  }
0x11: {  	[tilespmem:$0x100] =	vst v6;
	v3 =	vshll.u32 v3, $0x4;
	v6 =	vnsel vm4, $0x2003FE, v1;
	vm5 =	vlt.s32 v4, $0x2003FE  }
0x12: {  	[tilespmem:$0x10] =	vst v8;
	v1 =	vadd.s32 v3, v1;
	v3 =	vnsel vm5, $0x2003FE, v4;
	v4 =	vadd.s32 $0x7D0, v0  }
0x13: {  	[tilespmem:$0x90] =	vst v7;
	v1 =	vadd.s32 $0xFFFFFF88, v1;
	v7 =	vadd.s32 $0x1, v6;
	v4 =	vsub.s32 v4, v2  }
0x14: {  	[tilespmem:$0x110] =	vst v5;
	vm6 =	vlt.s32 v1, $0x2003FE;
	v5 =	vadd.s32 v4, v1;
	v4 =	vshll.u32 v4, $0x4  }
0x15: {  	[tilespmem:$0x20] =	vst v6;
	v8 =	vnsel vm6, $0x2003FE, v1;
	vm7 =	vlt.s32 v5, $0x2003FE;
	v1 =	vadd.s32 v4, v1  }
0x16: {  	[tilespmem:$0xA0] =	vst v3;
	v4 =	vadd.s32 $0x7C0, v0;
	v3 =	vnsel vm7, $0x2003FE, v5;
	v1 =	vadd.s32 $0xFFFFFF88, v1  }
0x17: {  	[tilespmem:$0x120] =	vst v7;
	v4 =	vsub.s32 v4, v2;
	v5 =	vadd.s32 $0x1, v8;
	vm8 =	vlt.s32 v1, $0x2003FE  }
0x18: {  	v6 =	vshll.u32 v4, $0x4;
	v4 =	vadd.s32 v4, v1;
	[tilespmem:$0xB0] =	vst v3;
	v3 =	vadd.s32 $0x7B0, v0  }
0x19: {  	[tilespmem:$0x30] =	vst v8;
	v7 =	vnsel vm8, $0x2003FE, v1;
	v1 =	vadd.s32 v6, v1;
	vm9 =	vlt.s32 v4, $0x2003FE  }
0x1a: {  	[tilespmem:$0x130] =	vst v5;
	v3 =	vsub.s32 v3, v2;
	v1 =	vadd.s32 $0xFFFFFF88, v1;
	v4 =	vnsel vm9, $0x2003FE, v4  }
0x1b: {  	[tilespmem:$0x40] =	vst v7;
	v5 =	vadd.s32 $0x1, v7;
	vm10 =	vlt.s32 v1, $0x2003FE;
	v6 =	vadd.s32 v3, v1  }
0x1c: {  	[tilespmem:$0xC0] =	vst v4;
	v3 =	vshll.u32 v3, $0x4;
	v4 =	vadd.s32 $0x7A0, v0;
	v7 =	vnsel vm10, $0x2003FE, v1  }
0x1d: {  	[tilespmem:$0x140] =	vst v5;
	vm11 =	vlt.s32 v6, $0x2003FE;
	v1 =	vadd.s32 v3, v1;
	v3 =	vsub.s32 v4, v2  }
0x1e: {  	v5 =	vnsel vm11, $0x2003FE, v6;
	[tilespmem:$0x50] =	vst v7;
	v4 =	vadd.s32 $0x1, v7;
	v1 =	vadd.s32 $0xFFFFFF88, v1  }
0x1f: {  	v6 =	vshll.u32 v3, $0x4;
	[tilespmem:$0xD0] =	vst v5;
	v3 =	vadd.s32 v3, v1;
	vm12 =	vlt.s32 v1, $0x2003FE  }
0x20: {  	v5 =	vadd.s32 v6, v1;
	[tilespmem:$0x150] =	vst v4;
	v1 =	vnsel vm12, $0x2003FE, v1;
	vm13 =	vlt.s32 v3, $0x2003FE  }
0x21: {  	v4 =	vadd.s32 $0xFFFFFF88, v5;
	v5 =	vadd.s32 $0x790, v0;
	[tilespmem:$0x60] =	vst v1;
	v3 =	vnsel vm13, $0x2003FE, v3  }
0x22: {  	v2 =	vsub.s32 v4, v2;
	v1 =	vadd.s32 $0x1, v1;
	vm14 =	vlt.s32 v4, $0x2003FE;
	[tilespmem:$0xE0] =	vst v3  }
0x23: {  	v2 =	vadd.s32 v5, v2;
	[tilespmem:$0x160] =	vst v1;
	v1 =	vnsel vm14, $0x2003FE, v4  }
0x24: {  	vm15 =	vlt.s32 v2, $0x2003FE;
	[tilespmem:$0x70] =	vst v1;
	v1 =	vadd.s32 $0x1, v1  }
0x25: {  	v2 =	vnsel vm15, $0x2003FE, v2;
	[tilespmem:$0x170] =	vst v1  }
0x26: {  	s6 =	simm.s32 $0x80;
	s7 =	simm.s32 $0x0;
	s8 =	simm.s32 $0x180;
	[tilespmem:$0xF0] =	vst v2  }
0x27: {  	[tilespmem:s8], [sflag:$0x1] =	stream.indirect.gather [hbm4b:s5+s6], $0x1, s7, s6, $0xb8;
	[tilespmem:$0x490] =	vst v63  }
0x28: {  	s23 =	simm.s32 $0x200  }
0x29: {  	[tilespmem:s23], [sflag:$0x1] =	stream.indirect.gather [hbm4b:s5+s6], $0x1, s6, s6, $0xb8;
	[tilespmem:$0x490] =	vst v63  }
0x2a: {  	s24 =	simm.s32 $0x100;
	s25 =	simm.s32 $0x280;
	s26 =	simm.s32 $0x1  }
0x2b: {  	[tilespmem:s25], [sflag:$0x1] =	stream.indirect.gather [hbm4b:s5+s6], $0x1, s24, s6, $0xb8;
	[tilespmem:$0x490] =	vst v63  }
0x2c: {  	_ =	swait.ge [sflag:s26], $0x80  }
0x2d: {  	[sflag:s26] =	ssyncset.done $0x0  }
0x2e: {  	[sflag:s26] =	ssyncadd.s32 $0xFFFFFF80  }
0x2f: {  	_ =	swait.ge [sflag:s26], $0x80  }
0x30: {  	[sflag:s26] =	ssyncset.done $0x0  }
0x31: {  	[sflag:s26] =	ssyncadd.s32 $0xFFFFFF80  }
0x32: {  	_ =	swait.ge [sflag:s26], $0x80  }
0x33: {  	[sflag:s26] =	ssyncset.done $0x0  }
0x34: {  	s28 =	simm.s32 $0x0;
	[sflag:s26] =	ssyncadd.s32 $0xFFFFFF80  }
0x35: {  	v1 =	vld [tilespmem:s28+$0x200]  }
0x36: {  	v2 =	vld [tilespmem:s28+$0x280]  }
0x37: {  	v3 =	vld [tilespmem:s28+$0x180]  }
0x38: {  	s29 =	simm.s32 $0x10  }
0x39: {  	v4 =	vld [tilespmem:s29+$0x200]  }
0x3a: {  	v1 =	vmul.f32 $1.442695020e+00, v1  }
0x3b: {  	s30 =	simm.s32 $0x20;
	v2 =	vmul.f32 $1.442695020e+00, v2  }
0x3c: {  	v5 =	vld [tilespmem:s30+$0x180];
	v3 =	vmul.f32 $1.442695020e+00, v3;
	(erf) = vpow2.f32 v1  }
0x3d: {  	v1 =	vld [tilespmem:s29+$0x280];
	(erf) = vpow2.f32 v2  }
0x3e: {  	v2 =	vld [tilespmem:s29+$0x180];
	(erf) = vpow2.f32 v3;
	v3 =	vmul.f32 $1.442695020e+00, v4  }
0x3f: {  	v4 =	vld [tilespmem:s30+$0x200]  }
0x40: {  	(erf) = vpow2.f32 v3;
	v3 =	vld [tilespmem:s30+$0x280];
	_ =	sdelay $0x1  }
0x41: {  	v1 =	vmul.f32 $1.442695020e+00, v1  }
0x42: {  	v8 =	vmul.f32 $1.442695020e+00, v5;
	v2 =	vmul.f32 $1.442695020e+00, v2  }
0x43: {  	(erf) = vpow2.f32 v1;
	v4 =	vmul.f32 $1.442695020e+00, v4  }
0x44: {  	v6 =	vpop (erf);
	(erf) = vpow2.f32 v2;
	v5 =	vmul.f32 $1.442695020e+00, v3  }
0x45: {  	s31 =	simm.s32 $0x30;
	v7 =	vpop (erf);
	(erf) = vpow2.f32 v4  }
0x46: {  	v2 =	vld [tilespmem:s31+$0x200];
	v9 =	vpop (erf);
	v4 =	vmax.f32 v6, v7;
	(erf) = vpow2.f32 v5  }
0x47: {  	v3 =	vld [tilespmem:s31+$0x180];
	v4 =	vmax.f32 v9, v4;
	(erf) = vpow2.f32 v8  }
0x48: {  	v5 =	vld [tilespmem:s31+$0x280];
	v10 =	vadd.f32 v6, v9  }
0x49: {  	v0 =	vadd.s32 $0x7FE, v0  }
0x4a: {  	s5 =	simm.s32 $0x100;
	v1 =	vimm.f32 $0.0e+00;
	v6 =	vadd.f32 v4, v4;
	v7 =	vadd.f32 v7, v10;
	v4 =	vpop (erf)  }
.LBB2_1:
0x4b: {  	s6 =	sshra.s32 s5, $0x2;
	v8 =	vmul.f32 $1.442695020e+00, v2;
	v12 =	vmov s4;
	p0 =	sne.s32 s5, $0x1C0  }
.Ltmp0:
0x4c: {  	v2 =	vld [tilespmem:s6+$0x200];
	v10 =	vmul.f32 $1.442695020e+00, v3;
	v11 =	vpop (erf);
	v6 =	vsub.f32 v6, v7;
	vm0 =	vlt.u32 v12, v0;
	(pc) =	sbr.rel @p0 .LBB2_1-.Ltmp0, $4  }
0x4d: {  	v3 =	vld [tilespmem:s6+$0x180];
	v7 =	vmul.f32 $1.442695020e+00, v5;
	(erf) = vpow2.f32 v8;
	v8 =	vmax.f32 v4, v11;
	v9 =	vpop (erf)  }
0x4e: {  	s5 =	sadd.s32 $0x40, s5;
	v5 =	vld [tilespmem:s6+$0x280];
	v8 =	vmax.f32 v9, v8;
	v9 =	vadd.f32 v4, v9;
	v12 =	vmax.f32 v6, $0.0e+00  }
0x4f: {  	(erf) = vpow2.f32 v7;
	v6 =	vadd.f32 v8, v8;
	v8 =	vnsel vm0, $0x0, v12  }
0x50: {  	s4 =	sadd.s32 $0x10, s4;
	(erf) = vpow2.f32 v10;
	v4 =	vpop (erf);
	v7 =	vadd.f32 v11, v9;
	v1 =	vadd.f32 v8, v1  }
0x51: {  	_ = 	snop  }
0x52: {  	v2 =	vmul.f32 $1.442695020e+00, v2  }
0x53: {  	v5 =	vmul.f32 $1.442695020e+00, v5  }
0x54: {  	v3 =	vmul.f32 $1.442695020e+00, v3;
	(erf) = vpow2.f32 v2  }
0x55: {  	(erf) = vpow2.f32 v5  }
0x56: {  	(erf) = vpow2.f32 v3;
	_ =	sdelay $0x1  }
0x57: {  	v44 =	vpop (erf)  }
0x58: {  	v45 =	vpop (erf)  }
0x59: {  	v46 =	vmov s4;
	v47 =	vmax.f32 v4, v44;
	v48 =	vadd.f32 v4, v45;
	v8 =	vpop (erf)  }
0x5a: {  	s29 =	sadd.s32 $0x10, s4;
	v6 =	vsub.f32 v6, v7;
	vm0 =	vlt.u32 v46, v0;
	v3 =	vmax.f32 v45, v47;
	v49 =	vpop (erf)  }
0x5b: {  	v54 =	vmov s29;
	v2 =	vadd.f32 v44, v48;
	v3 =	vadd.f32 v3, v3;
	v50 =	vpop (erf)  }
0x5c: {  	s4 =	sadd.s32 $0x10, s29;
	vm13 =	vlt.u32 v54, v0;
	v51 =	vmax.f32 v8, v49;
	v8 =	vadd.f32 v8, v50;
	v9 =	vpop (erf)  }
0x5d: {  	v59 =	vmov s4;
	v2 =	vsub.f32 v3, v2;
	v52 =	vmax.f32 v50, v51;
	v53 =	vpop (erf)  }
0x5e: {  	v6 =	vmax.f32 v6, $0.0e+00;
	v3 =	vadd.f32 v52, v52;
	v5 =	vadd.f32 v49, v8;
	v55 =	vpop (erf)  }
0x5f: {  	v6 =	vnsel vm0, $0x0, v6;
	v56 =	vmax.f32 v9, v53;
	v57 =	vadd.f32 v9, v55  }
0x60: {  	v1 =	vadd.f32 v6, v1;
	v3 =	vsub.f32 v3, v5;
	v58 =	vmax.f32 v55, v56  }
0x61: {  	v2 =	vmax.f32 v2, $0.0e+00;
	v5 =	vadd.f32 v58, v58;
	v4 =	vadd.f32 v53, v57  }
0x62: {  	vm14 =	vlt.u32 v59, v0;
	v2 =	vnsel vm13, $0x0, v2  }
0x63: {  	s4 =	sadd.s32 $0x10, s4;
	v1 =	vadd.f32 v2, v1;
	v60 =	vmax.f32 v3, $0.0e+00;
	v61 =	vsub.f32 v5, v4  }
0x64: {  	v62 =	vmov s4;
	v2 =	vnsel vm14, $0x0, v60  }
0x65: {  	vm15 =	vlt.u32 v62, v0;
	v1 =	vadd.f32 v2, v1;
	v63 =	vmax.f32 v61, $0.0e+00  }
0x66: {  	v0 =	vnsel vm15, $0x0, v63  }
0x67: {  	v0 =	vadd.f32 v0, v1  }
0x68: {  	s30 =	sshll.u32 s2, $0x4  }
0x69: {  	s5 =	simm.s32 $0x300;
	s31 =	simm.s32 $0x2;
	s4 =	sadd.s32 s30, s3;
	[tilespmem:$0x300] =	vst v0  }
0x6a: {  	[spmem:s4] =	stream.linear.scatter [tilespmem:s5], [sflag:$0x2], $0x10, $0x38;
	[tilespmem:$0x490] =	vst v63  }
0x6b: {  	_ =	swait.ge [sflag:s31], $0x10  }
0x6c: {  	[sflag:s31] =	ssyncset.done $0x0  }
0x6d: {  	[sflag:s31] =	ssyncadd.s32 $0xFFFFFFF0  }
0x6e: {  	p0 =	sne.s32 s2, $0x0;
	[bflag:$0x0] =	sbarrier.arrive $0xFFFF  }
0x6f: {  	_ =	sfence.sel @p0 $0x180000  }
0x70: {  	[bflag:$0x0] =	sbarrier.arrive @p0 $0xFFFF  }
0x71: {  	_ =	strace @p0 $0x90000047  }
0x72: {  	s2 =	simm.s32 @!p0 $0x380;
	[bflag:$0x2] =	sbarrier.arrive @p0 $0xFFFF  }
0x73: {  	[tilespmem:s2], [sflag:$0x2] =	stream.linear.gather @!p0 [spmem:s3], $0x100, $0x38;
	[tilespmem:$0x490] =	vst v63  }
0x74: {  	s2 =	simm.s32 @!p0 $0x2  }
0x75: {  	_ =	swait.ge @!p0 [sflag:s2], $0x100  }
0x76: {  	[sflag:s2] =	ssyncset.done @!p0 $0x0  }
0x77: {  	[sflag:s2] =	ssyncadd.s32 @!p0 $0xFFFFFF00  }
0x78: {  	v0 =	vld @!p0 [tilespmem:$0x380]  }
0x79: {  	v1 =	vld @!p0 [tilespmem:$0x390];
	_ =	sdelay $0x1  }
0x7a: {  	v2 =	vld @!p0 [tilespmem:$0x3A0];
	_ =	sdelay $0x1  }
0x7b: {  	v3 =	vld @!p0 [tilespmem:$0x3B0]  }
0x7c: {  	v0 =	vadd.f32 @!p0 v1, v0  }
0x7d: {  	v1 =	vld @!p0 [tilespmem:$0x3C0]  }
0x7e: {  	v0 =	vadd.f32 @!p0 v2, v0  }
0x7f: {  	v2 =	vld @!p0 [tilespmem:$0x3D0]  }
0x80: {  	v0 =	vadd.f32 @!p0 v3, v0  }
0x81: {  	v3 =	vld @!p0 [tilespmem:$0x3E0]  }
0x82: {  	v0 =	vadd.f32 @!p0 v1, v0  }
0x83: {  	v1 =	vld @!p0 [tilespmem:$0x3F0]  }
0x84: {  	v0 =	vadd.f32 @!p0 v2, v0  }
0x85: {  	v2 =	vld @!p0 [tilespmem:$0x400]  }
0x86: {  	v0 =	vadd.f32 @!p0 v3, v0  }
0x87: {  	v3 =	vld @!p0 [tilespmem:$0x410]  }
0x88: {  	v0 =	vadd.f32 @!p0 v1, v0  }
0x89: {  	v1 =	vld @!p0 [tilespmem:$0x420]  }
0x8a: {  	v0 =	vadd.f32 @!p0 v2, v0  }
0x8b: {  	v2 =	vld @!p0 [tilespmem:$0x430]  }
0x8c: {  	v0 =	vadd.f32 @!p0 v3, v0  }
0x8d: {  	v3 =	vld @!p0 [tilespmem:$0x440]  }
0x8e: {  	v0 =	vadd.f32 @!p0 v1, v0  }
0x8f: {  	v1 =	vld @!p0 [tilespmem:$0x450]  }
0x90: {  	v0 =	vadd.f32 @!p0 v2, v0  }
0x91: {  	v2 =	vld @!p0 [tilespmem:$0x460]  }
0x92: {  	v0 =	vadd.f32 @!p0 v3, v0  }
0x93: {  	v3 =	vld @!p0 [tilespmem:$0x470]  }
0x94: {  	v0 =	vadd.f32 @!p0 v1, v0;
	_ =	sdelay $0x1  }
0x95: {  	v0 =	vadd.f32 @!p0 v2, v0;
	_ =	sdelay $0x1  }
0x96: {  	v0 =	vadd.f32 @!p0 v3, v0;
	_ =	sdelay $0x1  }
0x97: {  	(xrf2) =	vadd.scan.msk.f32 @!p0 $0xffff, v0;
	_ =	sdelay $0x9  }
0x98: {  	v0, _, _ =	vpop @!p0 (xrf2)  }
0x99: {  	v0 =	vadd.f32 @!p0 $0.0e+00, v0;
	_ =	sdelay $0x1  }
0x9a: {  	v0 =	vbroadcast @!p0 v0, $0xF;
	_ =	sdelay $0x1  }
0x9b: {  	s4 =	simm.s32 @!p0 $0x300;
	s3 =	simm.s32 @!p0 $0x0;
	[tilespmem:$0x300] =	vst @!p0 v0  }
0x9c: {  	[hbm4b:s1+s3] =	stream.linear.scatter @!p0 [tilespmem:s4], [sflag:$0x2], $0x80, $0x38;
	[tilespmem:$0x490] =	vst v63  }
0x9d: {  	_ =	swait.ge @!p0 [sflag:s2], $0x80  }
0x9e: {  	[sflag:s2] =	ssyncset.done @!p0 $0x0  }
0x9f: {  	[sflag:s2] =	ssyncadd.s32 @!p0 $0xFFFFFF80  }
0xa0: {  	_ =	sfence.sel @!p0 $0x180000  }
0xa1: {  	[bflag:$0x0] =	sbarrier.arrive @!p0 $0xFFFF  }
0xa2: {  	_ =	strace @!p0 $0x90000047  }
0xa3: {  	s0 =	sadd.s32 @!p0 $0x100000, s0;
	[bflag:$0x2] =	sbarrier.arrive @!p0 $0xFFFF  }
0xa4: {  	[sflag:s0] =	ssyncadd.tile.s32 @!p0 $0x1;
	_ =	shalt  }
.Lfunc_end2:
_tile_overlayer_lowered:
.L_overlay_start_2:
0xa5: {  	(tag) =	ssettag $0x2  }
0xa6: {  	s0 =	rddreg [dreg:$0x0];
	s2 =	stileid.u32  }
0xa7: {  	s1 =	rddreg [dreg:$0x1];
	p0 =	sne.s32 s2, $0x0  }
0xa8: {  	s3 =	rddreg [dreg:$0x2];
	[bflag:$0x3] =	sbarrier.arrive $0xFFFF;
	s2 =	simm.s32 @!p0 $0x1C02  }
0xa9: {  	[timem:s3], [sflag:s2] =	dma.local @!p0 [hbm:s0], s1  }
0xaa: {  	s0 =	simm.s32 @!p0 $0x2  }
0xab: {  	_ =	swait.ge @!p0 [sflag:s0], s1  }
0xac: {  	s1 =	ssub.s32 @!p0 $0x0, s1;
	[sflag:s0] =	ssyncset.done @!p0 $0x0  }
0xad: {  	[sflag:s0] =	ssyncadd.s32 @!p0 s1  }
0xae: {  	[bflag:$0x3] =	sbarrier.arrive $0xFFFF  }
0xaf: {  	_ =	shalt  }

</sc_bundles>
